<compile_context>
chip_gen: v7x
topology: tpu7x:2x2x1
jax: 0.10.2.dev20260603
libtpu: 0.0.44.dev20260713+nightly
codegen_flags: <defaults>
</compile_context>

<pallas_src>
import functools

import jax
import jax.numpy as jnp
from jax import lax
from jax.experimental import pallas as pl
from jax.experimental.pallas import tpu as pltpu
from jax.experimental.pallas import tpu_sc as plsc

_NC, _NS, _L = 2, 16, 16
_NW = _NC * _NS


def _mask_sc_body(w_hbm, p_hbm, out_hbm, w_v, p_v):
    n_per_w = w_v.shape[0]
    wid = lax.axis_index("s") * _NC + lax.axis_index("c")
    base = wid * n_per_w
    pltpu.sync_copy(w_hbm.at[pl.ds(base, n_per_w)], w_v)
    pltpu.sync_copy(p_hbm.at[pl.ds(base, n_per_w)], p_v)

    _UNROLL = 8

    def body(i, carry):
        for u in range(_UNROLL):
            sl = pl.ds((i * _UNROLL + u) * _L, _L)
            w = w_v[sl]
            w_v[sl] = w - w * p_v[sl]
        return carry

    lax.fori_loop(0, n_per_w // (_L * _UNROLL), body, 0)
    pltpu.sync_copy(w_v, out_hbm.at[pl.ds(base, n_per_w)])


def _masked_weight_sc(weight, pruned):
    n = weight.size
    n_per_w = n // _NW
    mesh = plsc.VectorSubcoreMesh(core_axis_name="c", subcore_axis_name="s")
    fn = functools.partial(
        pl.kernel,
        mesh=mesh,
        out_type=jax.ShapeDtypeStruct((n,), jnp.float32),
        scratch_types=[
            pltpu.VMEM((n_per_w,), jnp.float32),
            pltpu.VMEM((n_per_w,), jnp.float32),
        ],
    )(_mask_sc_body)
    mw = fn(weight.reshape(n), pruned.reshape(n).astype(jnp.float32))
    return mw.reshape(weight.shape)


def _apply_body(img_ref, mw_ref, out_ref):
    out_ref[...] = img_ref[...] * mw_ref[...][None, :, :]


def kernel(image, weight, pruned):
    B, C, H, W = image.shape
    img = image.reshape(B * C, H, W)
    mw = _masked_weight_sc(weight, pruned)
    K = 8
    out = pl.pallas_call(
        _apply_body,
        grid=(B * C // K,),
        in_specs=[
            pl.BlockSpec((K, H, W), lambda i: (i, 0, 0)),
            pl.BlockSpec((H, W), lambda i: (0, 0)),
        ],
        out_specs=pl.BlockSpec((K, H, W), lambda i: (i, 0, 0)),
        out_shape=jax.ShapeDtypeStruct((B * C, H, W), jnp.float32),
    )(img, mw)
    return out.reshape(1, B, C, H, W)

# --- scband reference (transcript-rebuilt; emitter-appended) ---
"""Pipeline reference for scband-vdmask-13314398617810 (READ-ONLY COPY).

The authoritative reference and input builder live on the scoring server;
editing this copy changes nothing except your own understanding.
"""

import jax, jax.numpy as jnp
import numpy as np

H, W = 512, 512
PA, PB, AF = 10, 3, 4  # sparsity == 0.25


def _make_pruned(key):
    # Replicates VDMask.__init__ variable-density mask construction
    x = jnp.arange(-(H // 2), H // 2)
    y = jnp.arange(-(W // 2), W // 2)
    X, Y = jnp.meshgrid(x, y, indexing='ij')  # torch.meshgrid default is 'ij'
    Xf = X.astype(jnp.float32)
    Yf = Y.astype(jnp.float32)
    m = jnp.exp(-PA * jnp.sqrt(Xf ** 2 / (H ** 2) + Yf ** 2 / (W ** 2)) ** PB)
    m_norm = m / (m.sum() / (H * W / AF))
    r = jax.random.uniform(key, (H, W), dtype=jnp.float32)
    return m_norm > r


def setup_inputs(seed: int = 0) -> dict:
    key = jax.random.key(seed)
    k1, k2 = jax.random.split(key)
    image = jax.random.normal(k1, (8, 16, H, W), dtype=jnp.float32)
    weight = jnp.ones((H, W), dtype=jnp.float32)  # learned mask weight (Parameter)
    pruned = _make_pruned(k2)  # bool buffer
    return {"image": image, "weight": weight, "pruned": pruned}


def reference(image, weight, pruned):
    # Mask.forward: mask = ones_like(weight); masked_scatter_(pruned, zeros) -> where(pruned, 0, 1)
    mask = jnp.where(pruned, jnp.zeros_like(weight), jnp.ones_like(weight))
    # image * (weight * mask)[None, None, None, :]
    return image * (weight * mask)[None, None, None, :]

if __name__ == "__main__":
    import jax
    _d = setup_inputs()
    print(jax.jit(kernel)(*tuple(_d.values())))

</pallas_src>

<mosaic_0001>
#map = affine_map<(d0, d1) -> (0)>
module attributes {stable_mosaic.version = 14 : i64} {
  func.func @_mask_sc_body(%arg0: i32, %arg1: i32, %arg2: memref<262144xf32, #tpu.memory_space<hbm>>, %arg3: memref<262144xf32, #tpu.memory_space<hbm>>, %arg4: memref<262144xf32, #tpu.memory_space<hbm>>, %arg5: memref<8192xf32, #tpu.memory_space<vmem>>, %arg6: memref<8192xf32, #tpu.memory_space<vmem>>) attributes {dimension_semantics = [#tpu.dimension_semantics<core_parallel>, #tpu.dimension_semantics<subcore_parallel>], iteration_bounds = array<i64: 2, 16>, scalar_prefetch = 0 : i64, scratch_operands = 2 : i64, tpu.core_type = #tpu.core_type<sc_vector_subcore>, window_params = [{transform_indices = #map}, {transform_indices = #map}, {transform_indices = #map}]} {
    %mul3A = arith.constant 2 : i32
    %mul3A_0 = arith.muli %arg1, %mul3A : i32
    %add3A = arith.addi %mul3A_0, %arg0 : i32
    %mul3A_1 = arith.constant 8192 : i32
    %mul3A_2 = arith.muli %add3A, %mul3A_1 : i32
    "tpu.region"() ({
      %run_scoped3A = tpu.sem_alloc : memref<!tpu.dma_semaphore, #tpu.memory_space<semaphore_mem>>
      %dma_start3A = tpu.memref_slice %arg2[%mul3A_2] : memref<262144xf32, #tpu.memory_space<hbm>> -> memref<8192xf32, #tpu.memory_space<hbm>>
      %dma_start3A_8 = tpu.memref_slice %arg2[%mul3A_2] : memref<262144xf32, #tpu.memory_space<hbm>> -> memref<8192xf32, #tpu.memory_space<hbm>>
      tpu.enqueue_dma source(%dma_start3A_8 : memref<8192xf32, #tpu.memory_space<hbm>>) target(%arg5 : memref<8192xf32, #tpu.memory_space<vmem>>) target_semaphore(%run_scoped3A : memref<!tpu.dma_semaphore, #tpu.memory_space<semaphore_mem>>)
      %dma_wait3A = tpu.memref_slice %arg2[%mul3A_2] : memref<262144xf32, #tpu.memory_space<hbm>> -> memref<8192xf32, #tpu.memory_space<hbm>>
      %dma_wait3A_9 = tpu.memref_slice %arg2[%mul3A_2] : memref<262144xf32, #tpu.memory_space<hbm>> -> memref<8192xf32, #tpu.memory_space<hbm>>
      tpu.wait_dma2 semaphore(%run_scoped3A : memref<!tpu.dma_semaphore, #tpu.memory_space<semaphore_mem>>) src(%dma_wait3A_9 : memref<8192xf32, #tpu.memory_space<hbm>>) dst(%arg5 : memref<8192xf32, #tpu.memory_space<vmem>>)
      tpu.yield
    }) : () -> ()
    "tpu.region"() ({
      %run_scoped3A = tpu.sem_alloc : memref<!tpu.dma_semaphore, #tpu.memory_space<semaphore_mem>>
      %dma_start3A = tpu.memref_slice %arg3[%mul3A_2] : memref<262144xf32, #tpu.memory_space<hbm>> -> memref<8192xf32, #tpu.memory_space<hbm>>
      %dma_start3A_8 = tpu.memref_slice %arg3[%mul3A_2] : memref<262144xf32, #tpu.memory_space<hbm>> -> memref<8192xf32, #tpu.memory_space<hbm>>
      tpu.enqueue_dma source(%dma_start3A_8 : memref<8192xf32, #tpu.memory_space<hbm>>) target(%arg6 : memref<8192xf32, #tpu.memory_space<vmem>>) target_semaphore(%run_scoped3A : memref<!tpu.dma_semaphore, #tpu.memory_space<semaphore_mem>>)
      %dma_wait3A = tpu.memref_slice %arg3[%mul3A_2] : memref<262144xf32, #tpu.memory_space<hbm>> -> memref<8192xf32, #tpu.memory_space<hbm>>
      %dma_wait3A_9 = tpu.memref_slice %arg3[%mul3A_2] : memref<262144xf32, #tpu.memory_space<hbm>> -> memref<8192xf32, #tpu.memory_space<hbm>>
      tpu.wait_dma2 semaphore(%run_scoped3A : memref<!tpu.dma_semaphore, #tpu.memory_space<semaphore_mem>>) src(%dma_wait3A_9 : memref<8192xf32, #tpu.memory_space<hbm>>) dst(%arg6 : memref<8192xf32, #tpu.memory_space<vmem>>)
      tpu.yield
    }) : () -> ()
    %scan3A = arith.constant 0 : i32
    %scan3A_3 = arith.constant 0 : i32
    %scan3A_4 = arith.constant 64 : i32
    %scan3A_5 = arith.addi %scan3A_3, %scan3A_4 : i32
    %scan3A_6 = arith.constant 1 : i32
    scf.for %scan3A_8 = %scan3A_3 to %scan3A_5 step %scan3A_6  : i32 {
      %mul3A_9 = arith.constant 8 : i32
      %mul3A_10 = arith.muli %scan3A_8, %mul3A_9 : i32
      %add3A_11 = arith.constant 0 : i32
      %add3A_12 = arith.addi %mul3A_10, %add3A_11 : i32
      %mul3A_13 = arith.constant 16 : i32
      %mul3A_14 = arith.muli %add3A_12, %mul3A_13 : i32
      %get3A = arith.index_cast %mul3A_14 : i32 to index
      %get3A_15 = tpu.vector_load %arg5[%get3A] {strides = array<i32>} : memref<8192xf32, #tpu.memory_space<vmem>>, vector<16xf32>,
      %get3A_16 = vector.shape_cast %get3A_15 : vector<16xf32> to vector<16xf32>
      %get3A_17 = arith.index_cast %mul3A_14 : i32 to index
      %get3A_18 = tpu.vector_load %arg6[%get3A_17] {strides = array<i32>} : memref<8192xf32, #tpu.memory_space<vmem>>, vector<16xf32>,
      %get3A_19 = vector.shape_cast %get3A_18 : vector<16xf32> to vector<16xf32>
      %mul3A_20 = arith.mulf %get3A_16, %get3A_19 : vector<16xf32>
      %sub3A = arith.subf %get3A_16, %mul3A_20 : vector<16xf32>
      %swap3A = arith.index_cast %mul3A_14 : i32 to index
      %swap3A_21 = tpu.vector_load %arg5[%swap3A] {strides = array<i32>} : memref<8192xf32, #tpu.memory_space<vmem>>, vector<16xf32>,
      %swap3A_22 = vector.shape_cast %swap3A_21 : vector<16xf32> to vector<16xf32>
      %swap3A_23 = vector.shape_cast %sub3A : vector<16xf32> to vector<16xf32>
      tpu.vector_store %arg5[%swap3A], %swap3A_23 {strides = array<i32>} : memref<8192xf32, #tpu.memory_space<vmem>>, vector<16xf32>,
      %mul3A_24 = arith.constant 8 : i32
      %mul3A_25 = arith.muli %scan3A_8, %mul3A_24 : i32
      %add3A_26 = arith.constant 1 : i32
      %add3A_27 = arith.addi %mul3A_25, %add3A_26 : i32
      %mul3A_28 = arith.constant 16 : i32
      %mul3A_29 = arith.muli %add3A_27, %mul3A_28 : i32
      %get3A_30 = arith.index_cast %mul3A_29 : i32 to index
      %get3A_31 = tpu.vector_load %arg5[%get3A_30] {strides = array<i32>} : memref<8192xf32, #tpu.memory_space<vmem>>, vector<16xf32>,
      %get3A_32 = vector.shape_cast %get3A_31 : vector<16xf32> to vector<16xf32>
      %get3A_33 = arith.index_cast %mul3A_29 : i32 to index
      %get3A_34 = tpu.vector_load %arg6[%get3A_33] {strides = array<i32>} : memref<8192xf32, #tpu.memory_space<vmem>>, vector<16xf32>,
      %get3A_35 = vector.shape_cast %get3A_34 : vector<16xf32> to vector<16xf32>
      %mul3A_36 = arith.mulf %get3A_32, %get3A_35 : vector<16xf32>
      %sub3A_37 = arith.subf %get3A_32, %mul3A_36 : vector<16xf32>
      %swap3A_38 = arith.index_cast %mul3A_29 : i32 to index
      %swap3A_39 = tpu.vector_load %arg5[%swap3A_38] {strides = array<i32>} : memref<8192xf32, #tpu.memory_space<vmem>>, vector<16xf32>,
      %swap3A_40 = vector.shape_cast %swap3A_39 : vector<16xf32> to vector<16xf32>
      %swap3A_41 = vector.shape_cast %sub3A_37 : vector<16xf32> to vector<16xf32>
      tpu.vector_store %arg5[%swap3A_38], %swap3A_41 {strides = array<i32>} : memref<8192xf32, #tpu.memory_space<vmem>>, vector<16xf32>,
      %mul3A_42 = arith.constant 8 : i32
      %mul3A_43 = arith.muli %scan3A_8, %mul3A_42 : i32
      %add3A_44 = arith.constant 2 : i32
      %add3A_45 = arith.addi %mul3A_43, %add3A_44 : i32
      %mul3A_46 = arith.constant 16 : i32
      %mul3A_47 = arith.muli %add3A_45, %mul3A_46 : i32
      %get3A_48 = arith.index_cast %mul3A_47 : i32 to index
      %get3A_49 = tpu.vector_load %arg5[%get3A_48] {strides = array<i32>} : memref<8192xf32, #tpu.memory_space<vmem>>, vector<16xf32>,
      %get3A_50 = vector.shape_cast %get3A_49 : vector<16xf32> to vector<16xf32>
      %get3A_51 = arith.index_cast %mul3A_47 : i32 to index
      %get3A_52 = tpu.vector_load %arg6[%get3A_51] {strides = array<i32>} : memref<8192xf32, #tpu.memory_space<vmem>>, vector<16xf32>,
      %get3A_53 = vector.shape_cast %get3A_52 : vector<16xf32> to vector<16xf32>
      %mul3A_54 = arith.mulf %get3A_50, %get3A_53 : vector<16xf32>
      %sub3A_55 = arith.subf %get3A_50, %mul3A_54 : vector<16xf32>
      %swap3A_56 = arith.index_cast %mul3A_47 : i32 to index
      %swap3A_57 = tpu.vector_load %arg5[%swap3A_56] {strides = array<i32>} : memref<8192xf32, #tpu.memory_space<vmem>>, vector<16xf32>,
      %swap3A_58 = vector.shape_cast %swap3A_57 : vector<16xf32> to vector<16xf32>
      %swap3A_59 = vector.shape_cast %sub3A_55 : vector<16xf32> to vector<16xf32>
      tpu.vector_store %arg5[%swap3A_56], %swap3A_59 {strides = array<i32>} : memref<8192xf32, #tpu.memory_space<vmem>>, vector<16xf32>,
      %mul3A_60 = arith.constant 8 : i32
      %mul3A_61 = arith.muli %scan3A_8, %mul3A_60 : i32
      %add3A_62 = arith.constant 3 : i32
      %add3A_63 = arith.addi %mul3A_61, %add3A_62 : i32
      %mul3A_64 = arith.constant 16 : i32
      %mul3A_65 = arith.muli %add3A_63, %mul3A_64 : i32
      %get3A_66 = arith.index_cast %mul3A_65 : i32 to index
      %get3A_67 = tpu.vector_load %arg5[%get3A_66] {strides = array<i32>} : memref<8192xf32, #tpu.memory_space<vmem>>, vector<16xf32>,
      %get3A_68 = vector.shape_cast %get3A_67 : vector<16xf32> to vector<16xf32>
      %get3A_69 = arith.index_cast %mul3A_65 : i32 to index
      %get3A_70 = tpu.vector_load %arg6[%get3A_69] {strides = array<i32>} : memref<8192xf32, #tpu.memory_space<vmem>>, vector<16xf32>,
      %get3A_71 = vector.shape_cast %get3A_70 : vector<16xf32> to vector<16xf32>
      %mul3A_72 = arith.mulf %get3A_68, %get3A_71 : vector<16xf32>
      %sub3A_73 = arith.subf %get3A_68, %mul3A_72 : vector<16xf32>
      %swap3A_74 = arith.index_cast %mul3A_65 : i32 to index
      %swap3A_75 = tpu.vector_load %arg5[%swap3A_74] {strides = array<i32>} : memref<8192xf32, #tpu.memory_space<vmem>>, vector<16xf32>,
      %swap3A_76 = vector.shape_cast %swap3A_75 : vector<16xf32> to vector<16xf32>
      %swap3A_77 = vector.shape_cast %sub3A_73 : vector<16xf32> to vector<16xf32>
      tpu.vector_store %arg5[%swap3A_74], %swap3A_77 {strides = array<i32>} : memref<8192xf32, #tpu.memory_space<vmem>>, vector<16xf32>,
      %mul3A_78 = arith.constant 8 : i32
      %mul3A_79 = arith.muli %scan3A_8, %mul3A_78 : i32
      %add3A_80 = arith.constant 4 : i32
      %add3A_81 = arith.addi %mul3A_79, %add3A_80 : i32
      %mul3A_82 = arith.constant 16 : i32
      %mul3A_83 = arith.muli %add3A_81, %mul3A_82 : i32
      %get3A_84 = arith.index_cast %mul3A_83 : i32 to index
      %get3A_85 = tpu.vector_load %arg5[%get3A_84] {strides = array<i32>} : memref<8192xf32, #tpu.memory_space<vmem>>, vector<16xf32>,
      %get3A_86 = vector.shape_cast %get3A_85 : vector<16xf32> to vector<16xf32>
      %get3A_87 = arith.index_cast %mul3A_83 : i32 to index
      %get3A_88 = tpu.vector_load %arg6[%get3A_87] {strides = array<i32>} : memref<8192xf32, #tpu.memory_space<vmem>>, vector<16xf32>,
      %get3A_89 = vector.shape_cast %get3A_88 : vector<16xf32> to vector<16xf32>
      %mul3A_90 = arith.mulf %get3A_86, %get3A_89 : vector<16xf32>
      %sub3A_91 = arith.subf %get3A_86, %mul3A_90 : vector<16xf32>
      %swap3A_92 = arith.index_cast %mul3A_83 : i32 to index
      %swap3A_93 = tpu.vector_load %arg5[%swap3A_92] {strides = array<i32>} : memref<8192xf32, #tpu.memory_space<vmem>>, vector<16xf32>,
      %swap3A_94 = vector.shape_cast %swap3A_93 : vector<16xf32> to vector<16xf32>
      %swap3A_95 = vector.shape_cast %sub3A_91 : vector<16xf32> to vector<16xf32>
      tpu.vector_store %arg5[%swap3A_92], %swap3A_95 {strides = array<i32>} : memref<8192xf32, #tpu.memory_space<vmem>>, vector<16xf32>,
      %mul3A_96 = arith.constant 8 : i32
      %mul3A_97 = arith.muli %scan3A_8, %mul3A_96 : i32
      %add3A_98 = arith.constant 5 : i32
      %add3A_99 = arith.addi %mul3A_97, %add3A_98 : i32
      %mul3A_100 = arith.constant 16 : i32
      %mul3A_101 = arith.muli %add3A_99, %mul3A_100 : i32
      %get3A_102 = arith.index_cast %mul3A_101 : i32 to index
      %get3A_103 = tpu.vector_load %arg5[%get3A_102] {strides = array<i32>} : memref<8192xf32, #tpu.memory_space<vmem>>, vector<16xf32>,
      %get3A_104 = vector.shape_cast %get3A_103 : vector<16xf32> to vector<16xf32>
      %get3A_105 = arith.index_cast %mul3A_101 : i32 to index
      %get3A_106 = tpu.vector_load %arg6[%get3A_105] {strides = array<i32>} : memref<8192xf32, #tpu.memory_space<vmem>>, vector<16xf32>,
      %get3A_107 = vector.shape_cast %get3A_106 : vector<16xf32> to vector<16xf32>
      %mul3A_108 = arith.mulf %get3A_104, %get3A_107 : vector<16xf32>
      %sub3A_109 = arith.subf %get3A_104, %mul3A_108 : vector<16xf32>
      %swap3A_110 = arith.index_cast %mul3A_101 : i32 to index
      %swap3A_111 = tpu.vector_load %arg5[%swap3A_110] {strides = array<i32>} : memref<8192xf32, #tpu.memory_space<vmem>>, vector<16xf32>,
      %swap3A_112 = vector.shape_cast %swap3A_111 : vector<16xf32> to vector<16xf32>
      %swap3A_113 = vector.shape_cast %sub3A_109 : vector<16xf32> to vector<16xf32>
      tpu.vector_store %arg5[%swap3A_110], %swap3A_113 {strides = array<i32>} : memref<8192xf32, #tpu.memory_space<vmem>>, vector<16xf32>,
      %mul3A_114 = arith.constant 8 : i32
      %mul3A_115 = arith.muli %scan3A_8, %mul3A_114 : i32
      %add3A_116 = arith.constant 6 : i32
      %add3A_117 = arith.addi %mul3A_115, %add3A_116 : i32
      %mul3A_118 = arith.constant 16 : i32
      %mul3A_119 = arith.muli %add3A_117, %mul3A_118 : i32
      %get3A_120 = arith.index_cast %mul3A_119 : i32 to index
      %get3A_121 = tpu.vector_load %arg5[%get3A_120] {strides = array<i32>} : memref<8192xf32, #tpu.memory_space<vmem>>, vector<16xf32>,
      %get3A_122 = vector.shape_cast %get3A_121 : vector<16xf32> to vector<16xf32>
      %get3A_123 = arith.index_cast %mul3A_119 : i32 to index
      %get3A_124 = tpu.vector_load %arg6[%get3A_123] {strides = array<i32>} : memref<8192xf32, #tpu.memory_space<vmem>>, vector<16xf32>,
      %get3A_125 = vector.shape_cast %get3A_124 : vector<16xf32> to vector<16xf32>
      %mul3A_126 = arith.mulf %get3A_122, %get3A_125 : vector<16xf32>
      %sub3A_127 = arith.subf %get3A_122, %mul3A_126 : vector<16xf32>
      %swap3A_128 = arith.index_cast %mul3A_119 : i32 to index
      %swap3A_129 = tpu.vector_load %arg5[%swap3A_128] {strides = array<i32>} : memref<8192xf32, #tpu.memory_space<vmem>>, vector<16xf32>,
      %swap3A_130 = vector.shape_cast %swap3A_129 : vector<16xf32> to vector<16xf32>
      %swap3A_131 = vector.shape_cast %sub3A_127 : vector<16xf32> to vector<16xf32>
      tpu.vector_store %arg5[%swap3A_128], %swap3A_131 {strides = array<i32>} : memref<8192xf32, #tpu.memory_space<vmem>>, vector<16xf32>,
      %mul3A_132 = arith.constant 8 : i32
      %mul3A_133 = arith.muli %scan3A_8, %mul3A_132 : i32
      %add3A_134 = arith.constant 7 : i32
      %add3A_135 = arith.addi %mul3A_133, %add3A_134 : i32
      %mul3A_136 = arith.constant 16 : i32
      %mul3A_137 = arith.muli %add3A_135, %mul3A_136 : i32
      %get3A_138 = arith.index_cast %mul3A_137 : i32 to index
      %get3A_139 = tpu.vector_load %arg5[%get3A_138] {strides = array<i32>} : memref<8192xf32, #tpu.memory_space<vmem>>, vector<16xf32>,
      %get3A_140 = vector.shape_cast %get3A_139 : vector<16xf32> to vector<16xf32>
      %get3A_141 = arith.index_cast %mul3A_137 : i32 to index
      %get3A_142 = tpu.vector_load %arg6[%get3A_141] {strides = array<i32>} : memref<8192xf32, #tpu.memory_space<vmem>>, vector<16xf32>,
      %get3A_143 = vector.shape_cast %get3A_142 : vector<16xf32> to vector<16xf32>
      %mul3A_144 = arith.mulf %get3A_140, %get3A_143 : vector<16xf32>
      %sub3A_145 = arith.subf %get3A_140, %mul3A_144 : vector<16xf32>
      %swap3A_146 = arith.index_cast %mul3A_137 : i32 to index
      %swap3A_147 = tpu.vector_load %arg5[%swap3A_146] {strides = array<i32>} : memref<8192xf32, #tpu.memory_space<vmem>>, vector<16xf32>,
      %swap3A_148 = vector.shape_cast %swap3A_147 : vector<16xf32> to vector<16xf32>
      %swap3A_149 = vector.shape_cast %sub3A_145 : vector<16xf32> to vector<16xf32>
      tpu.vector_store %arg5[%swap3A_146], %swap3A_149 {strides = array<i32>} : memref<8192xf32, #tpu.memory_space<vmem>>, vector<16xf32>,
    }
    %scan3A_7 = arith.constant 64 : i32
    "tpu.region"() ({
      %run_scoped3A = tpu.sem_alloc : memref<!tpu.dma_semaphore, #tpu.memory_space<semaphore_mem>>
      %dma_start3A = tpu.memref_slice %arg4[%mul3A_2] : memref<262144xf32, #tpu.memory_space<hbm>> -> memref<8192xf32, #tpu.memory_space<hbm>>
      %dma_start3A_8 = tpu.memref_slice %arg4[%mul3A_2] : memref<262144xf32, #tpu.memory_space<hbm>> -> memref<8192xf32, #tpu.memory_space<hbm>>
      tpu.enqueue_dma source(%arg5 : memref<8192xf32, #tpu.memory_space<vmem>>) target(%dma_start3A_8 : memref<8192xf32, #tpu.memory_space<hbm>>) target_semaphore(%run_scoped3A : memref<!tpu.dma_semaphore, #tpu.memory_space<semaphore_mem>>)
      %dma_wait3A = tpu.memref_slice %arg4[%mul3A_2] : memref<262144xf32, #tpu.memory_space<hbm>> -> memref<8192xf32, #tpu.memory_space<hbm>>
      %dma_wait3A_9 = tpu.memref_slice %arg4[%mul3A_2] : memref<262144xf32, #tpu.memory_space<hbm>> -> memref<8192xf32, #tpu.memory_space<hbm>>
      tpu.wait_dma2 semaphore(%run_scoped3A : memref<!tpu.dma_semaphore, #tpu.memory_space<semaphore_mem>>) src(%arg5 : memref<8192xf32, #tpu.memory_space<vmem>>) dst(%dma_wait3A_9 : memref<8192xf32, #tpu.memory_space<hbm>>)
      tpu.yield
    }) : () -> ()
    return
  }
}

module attributes {stable_mosaic.version = 14 : i64} {
  func.func @_apply_body(%arg0: i32, %arg1: memref<8x512x512xf32, #tpu.memory_space<vmem>>, %arg2: memref<512x512xf32, #tpu.memory_space<vmem>>, %arg3: memref<8x512x512xf32, #tpu.memory_space<vmem>>) attributes {dimension_semantics = [#tpu.dimension_semantics<arbitrary>], iteration_bounds = array<i64: 16>, scalar_prefetch = 0 : i64, scratch_operands = 0 : i64, tpu.core_type = #tpu.core_type<tc>, window_params = [{transform_indices = @transform_0, window_bounds = array<i64: 8, 512, 512>}, {pipeline_mode = #tpu.pipeline_mode<synchronous>, transform_indices = @transform_1, window_bounds = array<i64: 512, 512>}, {transform_indices = @transform_2, window_bounds = array<i64: 8, 512, 512>}]} {
    %get3A = arith.constant 0 : index
    %get3A_0 = arith.constant 0 : index
    %get3A_1 = arith.constant 0 : index
    %get3A_2 = vector.load %arg1[%get3A, %get3A_0, %get3A_1] : memref<8x512x512xf32, #tpu.memory_space<vmem>>, vector<8x512x512xf32>
    %get3A_3 = arith.constant 0 : index
    %get3A_4 = arith.constant 0 : index
    %get3A_5 = vector.load %arg2[%get3A_3, %get3A_4] : memref<512x512xf32, #tpu.memory_space<vmem>>, vector<512x512xf32>
    %broadcast_in_dim3A = vector.shape_cast %get3A_5 : vector<512x512xf32> to vector<1x512x512xf32>
    %mul3A = vector.broadcast %broadcast_in_dim3A : vector<1x512x512xf32> to vector<8x512x512xf32>
    %mul3A_6 = arith.mulf %get3A_2, %mul3A : vector<8x512x512xf32>
    %swap3A = arith.constant 0 : index
    %swap3A_7 = arith.constant 0 : index
    %swap3A_8 = arith.constant 0 : index
    %swap3A_9 = vector.load %arg3[%swap3A, %swap3A_7, %swap3A_8] : memref<8x512x512xf32, #tpu.memory_space<vmem>>, vector<8x512x512xf32>
    tpu.vector_store %arg3[%swap3A, %swap3A_7, %swap3A_8], %mul3A_6 {strides = array<i32>} : memref<8x512x512xf32, #tpu.memory_space<vmem>>, vector<8x512x512xf32>,
    return
  }
  func.func @transform_0(%arg0: i32) -> (i32, i32, i32) {
    %c0_i32 = arith.constant 0 : i32
    %c0_i32_0 = arith.constant 0 : i32
    %c0_i32_1 = arith.constant 0 : i32
    return %arg0, %c0_i32, %c0_i32_0 : i32, i32, i32
  }
  func.func @transform_1(%arg0: i32) -> (i32, i32) {
    %c0_i32 = arith.constant 0 : i32
    %c0_i32_0 = arith.constant 0 : i32
    %c0_i32_1 = arith.constant 0 : i32
    return %c0_i32, %c0_i32_0 : i32, i32
  }
  func.func @transform_2(%arg0: i32) -> (i32, i32, i32) {
    %c0_i32 = arith.constant 0 : i32
    %c0_i32_0 = arith.constant 0 : i32
    %c0_i32_1 = arith.constant 0 : i32
    return %arg0, %c0_i32, %c0_i32_0 : i32, i32, i32
  }
}

</mosaic_0001>

<sc_bundles>
// kernel: kernel.4.cloned.1.call-start
scs
__scs_entry_jumppad:
0x0: {  	(pc) =	sbr.rel $0x88, $3  }
0x1: {  	(tag) =	ssettag $0x0;
	lr =	simm.s32 $0x1  }
0x2: {  	[smem:$0x3F9E] =	sst lr;
	_ =	strace $0xD0000000  }
0x3: {  	_ = 	snop  }
0x4: {  	_ = 	snop  }
0x5: {  	_ = 	snop  }
0x6: {  	_ = 	snop  }
0x7: {  	_ = 	snop  }
__scs_overlays_trampoline_lowered:
0x8: {  	[smem:$0x3FAD] =	sst s0  }
0x9: {  	[smem:$0x3FAE] =	sst s1  }
0xa: {  	[smem:$0x3FAF] =	sst s2  }
0xb: {  	[smem:$0x3FB0] =	sst s3  }
0xc: {  	[smem:$0x3FB1] =	sst s4  }
0xd: {  	[smem:$0x3FB2] =	sst s5  }
0xe: {  	[smem:$0x3FB3] =	sst s6  }
0xf: {  	[smem:$0x3FB4] =	sst s7  }
0x10: {  	[smem:$0x3FB5] =	sst s8  }
0x11: {  	[smem:$0x3FB6] =	sst s9;
	s0 =	simm.s32 @!p0 $0x0  }
0x12: {  	s1 =	sld [smem:$0x3F9C];
	s0 =	simm.s32 @p0 $0x1  }
0x13: {  	[smem:$0x3FB7] =	sst s0;
	s0 =	simm.s32 @!p1 $0x0  }
0x14: {  	s2 =	sld [smem:$0x3F9B];
	s0 =	simm.s32 @p1 $0x1  }
0x15: {  	[smem:$0x3FB8] =	sst s0;
	s0 =	simm.s32 @!p2 $0x0  }
0x16: {  	s3 =	sld [smem:$0x3FDB];
	s0 =	simm.s32 @p2 $0x1  }
0x17: {  	s4 =	simm.s32 $0x1BF5;
	[smem:$0x3FBA] =	sst s0  }
0x18: {  	s0 =	sld [smem:$0x3F9D];
	_ =	swait.ge [sflag:s4], $0x0  }
0x19: {  	s7 =	sld [smem:$0x3F9E]  }
0x1a: {  	s8 =	sadd.s32 $0xFFFFE003, lr  }
0x1b: {  	s9 =	sadd.s32 $0xFFFFFEF7, lr;
	s5 =	simm.s32 $0xFFFFFFFF;
	p2 =	slt.u32 s8, $0xFFFFF086  }
0x1c: {  	p1 =	slt.u32 s9, $0xF7A;
	s5 =	simm.s32 @!p2 $0x0  }
0x1d: {  	s5 =	simm.s32 @p1 $0x1;
	p0 =	seq.s32 s7, s2  }
0x1e: {  	s7 =	smul.u32 @!p0 $0xF7A, s2;
	p2 =	seq.s32 @!p0 s5, $0x0  }
0x1f: {  	s9 =	smul.u32 $0xF7A, s1;
	s8 =	simm.s32 @!p0 $0x1BF5;
	p2 =	por !p2, p0  }
0x20: {  	[sflag:s8] =	ssyncset.s32 @!p0 $0xFFFFF086;
	s6 =	sadd.s32 @!p0 s3, s7;
	s7 =	simm.s32 @!p0 $0x108  }
0x21: {  	s3 =	sadd.s32 s3, s9;
	s6 =	sadd.s32 @!p0 $0x88, s6;
	s7 =	simm.s32 @p2 $0x1082  }
0x22: {  	[simem:s7], [sflag:s8] =	dma.local @!p0 [hbm:s6], $0xF7A  }
0x23: {  	s9 =	sor.u32 $0xD0000000, s2;
	s6 =	simm.s32 $0x108;
	_ =	swait.ge @!p0 [sflag:s8], $0x0  }
0x24: {  	s3 =	sadd.s32 $0x88, s3;
	s6 =	simm.s32 @!p1 $0x1082;
	[sflag:s4] =	ssyncset.s32 $0xFFFFF086  }
0x25: {  	[simem:s6], [sflag:s4] =	dma.local [hbm:s3], $0xF7A  }
0x26: {  	[smem:$0x3F9E] =	sst s1;
	(tag) =	ssettag s2;
	_ =	strace s9  }
0x27: {  	s1 =	sld [smem:$0x3FAE]  }
0x28: {  	s2 =	sld [smem:$0x3FAF]  }
0x29: {  	s4 =	sld [smem:$0x3FB1]  }
0x2a: {  	p0 =	seq.s32 s5, $0x0;
	s5 =	sld [smem:$0x3FB2]  }
0x2b: {  	s6 =	sld [smem:$0x3FB3]  }
0x2c: {  	s7 =	sld [smem:$0x3FB4]  }
0x2d: {  	s3 =	simm.s32 $0x108;
	s8 =	sld [smem:$0x3FB5]  }
0x2e: {  	s3 =	simm.s32 @!p0 $0x1082;
	s9 =	sld [smem:$0x3FB6]  }
0x2f: {  	lr =	sadd.s32 s0, s3;
	s0 =	sld [smem:$0x3FAD]  }
0x30: {  	s3 =	sld [smem:$0x3FB0]  }
0x31: {  	[smem:$0x3FB9] =	sst s10  }
0x32: {  	s10 =	sld [smem:$0x3FB7];
	_ =	sdelay $0x3  }
0x33: {  	p0 =	seq.s32 s10, $0x1;
	s10 =	sld [smem:$0x3FB9];
	_ =	sdelay $0x3  }
0x34: {  	[smem:$0x3FB9] =	sst s10  }
0x35: {  	s10 =	sld [smem:$0x3FB8];
	_ =	sdelay $0x3  }
0x36: {  	p1 =	seq.s32 s10, $0x1;
	s10 =	sld [smem:$0x3FB9];
	_ =	sdelay $0x3  }
0x37: {  	[smem:$0x3FB9] =	sst s10  }
0x38: {  	s10 =	sld [smem:$0x3FBA]  }
0x39: {  	_ = 	snop;
	(pc) =	sbr.ind lr, $3  }
0x3a: {  	_ = 	snop  }
0x3b: {  	_ = 	snop  }
0x3c: {  	p2 =	seq.s32 s10, $0x1;
	s10 =	sld [smem:$0x3FB9]  }
0x3d: {  	_ =	shalt  }
0x3e: {  	_ =	shalt  }
0x3f: {  	_ =	shalt  }
0x40: {  	_ =	shalt  }
0x41: {  	_ =	shalt  }
0x42: {  	_ =	shalt  }
0x43: {  	_ =	shalt  }
0x44: {  	_ =	shalt  }
0x45: {  	_ =	shalt  }
0x46: {  	_ =	shalt  }
0x47: {  	_ =	shalt  }
0x48: {  	_ =	shalt  }
0x49: {  	_ =	shalt  }
0x4a: {  	_ =	shalt  }
0x4b: {  	_ =	shalt  }
0x4c: {  	_ =	shalt  }
0x4d: {  	_ =	shalt  }
0x4e: {  	_ =	shalt  }
0x4f: {  	_ =	shalt  }
0x50: {  	_ =	shalt  }
0x51: {  	_ =	shalt  }
0x52: {  	_ =	shalt  }
0x53: {  	_ =	shalt  }
0x54: {  	_ =	shalt  }
0x55: {  	_ =	shalt  }
0x56: {  	_ =	shalt  }
0x57: {  	_ =	shalt  }
0x58: {  	_ =	shalt  }
0x59: {  	_ =	shalt  }
0x5a: {  	_ =	shalt  }
0x5b: {  	_ =	shalt  }
0x5c: {  	_ =	shalt  }
0x5d: {  	_ =	shalt  }
0x5e: {  	_ =	shalt  }
0x5f: {  	_ =	shalt  }
0x60: {  	_ =	shalt  }
0x61: {  	_ =	shalt  }
0x62: {  	_ =	shalt  }
0x63: {  	_ =	shalt  }
0x64: {  	_ =	shalt  }
0x65: {  	_ =	shalt  }
0x66: {  	_ =	shalt  }
0x67: {  	_ =	shalt  }
0x68: {  	_ =	shalt  }
0x69: {  	_ =	shalt  }
0x6a: {  	_ =	shalt  }
0x6b: {  	_ =	shalt  }
0x6c: {  	_ =	shalt  }
0x6d: {  	_ =	shalt  }
0x6e: {  	_ =	shalt  }
0x6f: {  	_ =	shalt  }
0x70: {  	_ =	shalt  }
0x71: {  	_ =	shalt  }
0x72: {  	_ =	shalt  }
0x73: {  	_ =	shalt  }
0x74: {  	_ =	shalt  }
0x75: {  	_ =	shalt  }
0x76: {  	_ =	shalt  }
0x77: {  	_ =	shalt  }
0x78: {  	_ =	shalt  }
0x79: {  	_ =	shalt  }
0x7a: {  	_ =	shalt  }
0x7b: {  	_ =	shalt  }
0x7c: {  	_ =	shalt  }
0x7d: {  	_ =	shalt  }
0x7e: {  	_ =	shalt  }
0x7f: {  	_ =	shalt  }
0x80: {  	_ =	shalt  }
0x81: {  	_ =	shalt  }
0x82: {  	_ =	shalt  }
0x83: {  	_ =	shalt  }
0x84: {  	_ =	shalt  }
0x85: {  	_ =	shalt  }
0x86: {  	_ =	shalt  }
0x87: {  	_ =	shalt  }
.Lfunc_end0:
.L_simem_size_0:
called_computation_lowered:
.L_overlay_start_0:
0x88: {  	s2 =	sld [smem:$0x3FD9]  }
0x89: {  	s3 =	sld [smem:$0x3FFE];
	_ =	sdelay $0x1  }
0x8a: {  	s1 =	srdreg.scid  }
0x8b: {  	s0 =	sand.u32 $0x1, s1  }
0x8c: {  	s17 =	sshll.u32 s0, $0xA;
	s2 =	sadd.s32 s3, s2  }
0x8d: {  	s2 =	sadd.s32 s2, s17  }
0x8e: {  	[smem:$0x3FC5] =	sst s2  }
0x8f: {  	_ = 	snop  }
0x90: {  	s2 =	sld [smem:$0x3FD0];
	(tm) =	ssettm $0x1  }
0x91: {  	s18 =	sld [smem:$0x3FFB];
	_ =	sdelay $0x3  }
0x92: {  	_ =	strace s18  }
0x93: {  	s3 =	sld [smem:$0x3FFC];
	_ =	sdelay $0x3  }
0x94: {  	_ =	strace s3  }
0x95: {  	s3 =	sld [smem:$0x3FFD];
	_ =	sdelay $0x3  }
0x96: {  	_ =	strace s3  }
0x97: {  	_ =	strace $0x8FFFFFFF  }
0x98: {  	s19 =	sld [smem:$0x3FDB];
	_ =	sdelay $0x1  }
0x99: {  	s4 =	simm.s32 $_scs_section_size  }
0x9a: {  	s5 =	simm.s32 $_size__tile_overlayer_lowered;
	s6 =	simm.s32 $_tile_overlayer_lowered  }
0x9b: {  	s22 =	simm.s32 $0x1BFF;
	s21 =	sshll.u32 s6, $0x1;
	s3 =	sadd.s32 s4, s19  }
0x9c: {  	s7 =	simm.s32 $0x0;
	s20 =	sshll.u32 s5, $0x1;
	s5 =	sadd.s32 s21, s3  }
0x9d: {  	[timem:s7], [sflag:s22] =	dma.local [hbm:s5], s20  }
0x9e: {  	_ =	swait.ge [sflag:s22], s20  }
0x9f: {  	s4 =	ssub.s32 $0x0, s20;
	[sflag:s22] =	ssyncset.done $0x0  }
0xa0: {  	[sflag:s22] =	ssyncadd.s32 s4;
	_ =	sdelay $0x1  }
0xa1: {  	s23 =	simm.s32 $0x1B8B  }
0xa2: {  	_ =	swait.ge [sflag:s23], $0x1  }
0xa3: {  	[sflag:s23] =	ssyncset.done $0x0  }
0xa4: {  	s25 =	simm.s32 $0x1B8E;
	s24 =	sld [smem:$0x3FFE];
	[sflag:s23] =	ssyncadd.s32 $0xFFFFFFFF  }
0xa5: {  	s26 =	simm.s32 $execute0_lowered;
	[smem:$0x3FD2] =	sst s25  }
0xa6: {  	s5 =	sshll.u32 s26, $0x1;
	_ =	strace $0x80000046;
	[dreg:$0x1] =	wrdreg $0xFFFFFFFF  }
0xa7: {  	s28 =	simm.s32 $_size_execute0_lowered;
	s3 =	sadd.s32 s3, s5;
	[dreg:$0x0] =	wrdreg $0x0  }
0xa8: {  	s5 =	sshll.u32 s28, $0x1;
	[dreg:$0x2] =	wrdreg s3  }
0xa9: {  	[dreg:$0x3] =	wrdreg s5  }
0xaa: {  	[dreg:$0x4] =	wrdreg $0xC0  }
0xab: {  	_ =	task [dreg:s7], $0x5FFFF  }
0xac: {  	[dreg:$0x1] =	wrdreg $0xFFFFFFFF  }
0xad: {  	[dreg:$0x0] =	wrdreg $0x60  }
0xae: {  	[dreg:$0x2] =	wrdreg s2  }
0xaf: {  	[dreg:$0x3] =	wrdreg s24  }
0xb0: {  	[dreg:$0x4] =	wrdreg $0x9  }
0xb1: {  	_ =	task.clear_ibuf [dreg:s7], $0x5FFFF;
	_ =	strace $0x90000046  }
0xb2: {  	s29 =	simm.s32 $0x9;
	_ =	strace $0x80000048  }
0xb3: {  	_ =	swait.ge [sflag:s29], $0x1  }
0xb4: {  	[sflag:s29] =	ssyncadd.s32 $0xFFFFFFFF  }
0xb5: {  	_ =	strace $0x90000048  }
0xb6: {  	_ =	sfence  }
0xb7: {  	s30 =	sld [smem:$0x0];
	_ =	sdelay $0x2  }
0xb8: {  	s31 =	sshll.u32 s1, $0xD;
	s1 =	sshrl.u32 s1, $0x2  }
0xb9: {  	s3 =	sand.u32 $0x4000, s31;
	s1 =	sadd.s32 s1, s30  }
0xba: {  	s0 =	sor.u32 s3, s0;
	s1 =	sshll.u32 s1, $0x11  }
0xbb: {  	s0 =	sor.u32 s1, s0  }
0xbc: {  	s0 =	sadd.s32 $0x8F2B, s0  }
0xbd: {  	[sflag:s0] =	ssyncadd.remote.s32 $0x1  }
0xbe: {  	_ =	sfence.sel $0xFFFF  }
0xbf: {  	[dreg:$0x0] =	wrdreg $0xFFFFFFFF;
	(pc) =	sbr.abs _section_cstart, $3  }
0xc0: {  	[dreg:$0x1] =	wrdreg $0xFFFFFFFF  }
0xc1: {  	_ =	task.clear_ibuf [dreg:s7], $0x2FFFF;
	_ =	strace $0x9FFFFFFF  }
0xc2: {  	(tm) =	ssettm $0x7FFFFFFF  }
0xc3: {  	_ =	shalt  }
tec
execute0_lowered:
.L_overlay_start_1:
0x0: {  	(tag) =	ssettag $0x1  }
0x1: {  	s3 =	rddreg [dreg:$0x0]  }
0x2: {  	s4 =	rddreg [dreg:$0x1]  }
0x3: {  	s0 =	rddreg [dreg:$0x2];
	s2 =	simm.s32 $0x0;
	s5 =	srdreg.scid  }
0x4: {  	s1 =	stileid.u32;
	s9 =	simm.s32 $0x0;
	s5 =	sand.u32 $0x1, s5  }
0x5: {  	s6 =	sshll.u32 s1, $0xB;
	s7 =	sshll.u32 s5, $0xA;
	s5 =	ssub.s32 $0x2, s5  }
0x6: {  	[smem:$0x7FF] =	sst s2;
	s6 =	sor.u32 s7, s6;
	s31 =	sshrl.u32 s5, $0x1  }
0x7: {  	_ =	strace $0x80000047;
	s8 =	sadd.s32 s6, s4;
	s7 =	ssub.s32 s5, s31  }
0x8: {  	s3 =	sadd.s32 s3, s6;
	s4 =	sadd.s32 $0x400, s8;
	s5 =	sadd.s32 $0x8400, s8  }
0x9: {  	s6 =	smax.u32 s7, $0x1;
	s7 =	simm.s32 $0x1;
	s8 =	simm.s32 $0x2000  }
.LBB2_1:
0xa: {  	[tilespmem:s2], [sflag:$0x1] =	stream.linear.gather [hbm4b:s3+s2], $0x2000, $0x38;
	[tilespmem:$0x4000] =	vst v63  }
0xb: {  	_ =	swait.ge [sflag:s7], $0x2000  }
0xc: {  	[sflag:s7] =	ssyncset.done $0x0  }
0xd: {  	[sflag:s7] =	ssyncadd.s32 $0xFFFFE000  }
0xe: {  	[tilespmem:s8], [sflag:$0x1] =	stream.linear.gather [hbm4b:s4+s2], $0x2000, $0x38;
	[tilespmem:$0x4000] =	vst v63  }
0xf: {  	_ =	swait.ge [sflag:s7], $0x2000  }
0x10: {  	[sflag:s7] =	ssyncset.done $0x0  }
0x11: {  	s10 =	simm.s32 $0x0;
	[sflag:s7] =	ssyncadd.s32 $0xFFFFE000  }
0x12: {  	v6 =	vld [tilespmem:s10+$0x2000]  }
0x13: {  	v13 =	vld [tilespmem:s10+$0x2010]  }
0x14: {  	v5 =	vld [tilespmem:s10+$0x2020]  }
0x15: {  	v4 =	vld [tilespmem:s10+$0x2030]  }
0x16: {  	v3 =	vld [tilespmem:s10+$0x2040]  }
0x17: {  	v2 =	vld [tilespmem:s10+$0x2050]  }
0x18: {  	v1 =	vld [tilespmem:s10+$0x2060]  }
0x19: {  	v0 =	vld [tilespmem:s10+$0x2070]  }
0x1a: {  	v12 =	vld [tilespmem:s10+$0x0]  }
0x1b: {  	v11 =	vld [tilespmem:s10+$0x10]  }
0x1c: {  	v10 =	vld [tilespmem:s10+$0x20]  }
0x1d: {  	v9 =	vld [tilespmem:s10+$0x30]  }
0x1e: {  	v8 =	vld [tilespmem:s10+$0x40]  }
0x1f: {  	v7 =	vld [tilespmem:s10+$0x50];
	v14 =	vmul.f32 v6, v12  }
0x20: {  	s11 =	simm.s32 $0x200;
	v13 =	vmul.f32 v13, v11;
	v6 =	vld [tilespmem:s10+$0x60]  }
.LBB2_2:
0x21: {  	s12 =	sshra.s32 s11, $0x2;
	p0 =	sne.s32 s11, $0x7E00;
	v12 =	vsub.f32 v12, v14;
	v5 =	vmul.f32 v5, v10;
	v14 =	vld [tilespmem:s10+$0x70]  }
0x22: {  	v15 =	vld [tilespmem:s12+$0x2000];
	v11 =	vsub.f32 v11, v13;
	v4 =	vmul.f32 v4, v9  }
0x23: {  	v13 =	vld [tilespmem:s12+$0x2010];
	[tilespmem:s10+$0x0] =	vst v12;
	v10 =	vsub.f32 v10, v5;
	v3 =	vmul.f32 v3, v8  }
0x24: {  	v5 =	vld [tilespmem:s12+$0x2020];
	[tilespmem:s10+$0x10] =	vst v11;
	v9 =	vsub.f32 v9, v4;
	v2 =	vmul.f32 v2, v7  }
0x25: {  	v4 =	vld [tilespmem:s12+$0x2030];
	[tilespmem:s10+$0x20] =	vst v10;
	v8 =	vsub.f32 v8, v3;
	v1 =	vmul.f32 v1, v6  }
0x26: {  	v3 =	vld [tilespmem:s12+$0x2040];
	[tilespmem:s10+$0x30] =	vst v9;
	v7 =	vsub.f32 v7, v2;
	v0 =	vmul.f32 v0, v14  }
0x27: {  	v2 =	vld [tilespmem:s12+$0x2050];
	[tilespmem:s10+$0x40] =	vst v8;
	v6 =	vsub.f32 v6, v1  }
0x28: {  	v1 =	vld [tilespmem:s12+$0x2060];
	[tilespmem:s10+$0x50] =	vst v7;
	v7 =	vsub.f32 v14, v0  }
0x29: {  	v0 =	vld [tilespmem:s12+$0x2070];
	[tilespmem:s10+$0x60] =	vst v6  }
0x2a: {  	v12 =	vld [tilespmem:s12+$0x0];
	[tilespmem:s10+$0x70] =	vst v7;
	s10 =	smov.u32 s12  }
0x2b: {  	v11 =	vld [tilespmem:s10+$0x10]  }
.Ltmp0:
0x2c: {  	v10 =	vld [tilespmem:s10+$0x20];
	(pc) =	sbr.rel @p0 .LBB2_2-.Ltmp0, $4  }
0x2d: {  	v9 =	vld [tilespmem:s10+$0x30]  }
0x2e: {  	v8 =	vld [tilespmem:s10+$0x40]  }
0x2f: {  	v14 =	vmul.f32 v15, v12;
	v7 =	vld [tilespmem:s10+$0x50]  }
0x30: {  	s11 =	sadd.s32 $0x200, s11;
	v13 =	vmul.f32 v13, v11;
	v6 =	vld [tilespmem:s10+$0x60]  }
0x31: {  	v12 =	vsub.f32 v12, v14;
	v5 =	vmul.f32 v5, v10;
	v63 =	vld [tilespmem:s10+$0x70]  }
0x32: {  	v11 =	vsub.f32 v11, v13;
	v4 =	vmul.f32 v4, v9  }
0x33: {  	[tilespmem:s10+$0x0] =	vst v12;
	v5 =	vsub.f32 v10, v5;
	v3 =	vmul.f32 v3, v8  }
0x34: {  	[tilespmem:s10+$0x10] =	vst v11;
	v4 =	vsub.f32 v9, v4;
	v2 =	vmul.f32 v2, v7  }
0x35: {  	[tilespmem:s10+$0x20] =	vst v5;
	v3 =	vsub.f32 v8, v3;
	v1 =	vmul.f32 v1, v6  }
0x36: {  	[tilespmem:s10+$0x30] =	vst v4;
	v2 =	vsub.f32 v7, v2;
	v0 =	vmul.f32 v0, v63  }
0x37: {  	[tilespmem:s10+$0x40] =	vst v3;
	v1 =	vsub.f32 v6, v1  }
0x38: {  	s9 =	sadd.s32 $0x1, s9;
	[tilespmem:s10+$0x50] =	vst v2;
	v0 =	vsub.f32 v63, v0  }
0x39: {  	p0 =	sne.s32 s9, s6;
	[tilespmem:s10+$0x60] =	vst v1  }
.Ltmp1:
0x3a: {  	[tilespmem:s10+$0x70] =	vst v0;
	(pc) =	sbr.rel @p0 .LBB2_1-.Ltmp1, $4  }
0x3b: {  	[hbm4b:s5+s2] =	stream.linear.scatter [tilespmem:s2], [sflag:$0x1], $0x2000, $0x38;
	[tilespmem:$0x4000] =	vst v63  }
0x3c: {  	_ =	swait.ge [sflag:s7], $0x2000  }
0x3d: {  	[sflag:s7] =	ssyncset.done $0x0  }
0x3e: {  	[sflag:s7] =	ssyncadd.s32 $0xFFFFE000  }
0x3f: {  	_ =	sfence.sel $0x180000  }
0x40: {  	[bflag:$0x0] =	sbarrier.arrive $0xFFFF  }
0x41: {  	p0 =	sne.s32 s1, $0x0;
	_ =	strace $0x90000047  }
0x42: {  	s0 =	sadd.s32 @!p0 $0x100000, s0;
	[bflag:$0x2] =	sbarrier.arrive $0xFFFF  }
0x43: {  	[sflag:s0] =	ssyncadd.tile.s32 @!p0 $0x1;
	_ =	shalt  }
.Lfunc_end2:
_tile_overlayer_lowered:
.L_overlay_start_2:
0x44: {  	(tag) =	ssettag $0x2  }
0x45: {  	s0 =	rddreg [dreg:$0x0];
	s2 =	stileid.u32  }
0x46: {  	s1 =	rddreg [dreg:$0x1];
	p0 =	sne.s32 s2, $0x0  }
0x47: {  	s3 =	rddreg [dreg:$0x2];
	[bflag:$0x3] =	sbarrier.arrive $0xFFFF;
	s2 =	simm.s32 @!p0 $0x1C01  }
0x48: {  	[timem:s3], [sflag:s2] =	dma.local @!p0 [hbm:s0], s1  }
0x49: {  	s0 =	simm.s32 @!p0 $0x1  }
0x4a: {  	_ =	swait.ge @!p0 [sflag:s0], s1  }
0x4b: {  	s1 =	ssub.s32 @!p0 $0x0, s1;
	[sflag:s0] =	ssyncset.done @!p0 $0x0  }
0x4c: {  	[sflag:s0] =	ssyncadd.s32 @!p0 s1  }
0x4d: {  	[bflag:$0x3] =	sbarrier.arrive $0xFFFF  }
0x4e: {  	_ =	shalt  }

</sc_bundles>
